<compile_context>
chip_gen: v7x
topology: tpu7x:2x2x1
jax: 0.10.2.dev20260603
libtpu: 0.0.44.dev20260713+nightly
codegen_flags: <defaults>
</compile_context>

<pallas_src>
import functools

import jax
import jax.numpy as jnp
from jax import lax
from jax.experimental import pallas as pl
from jax.experimental.pallas import tpu as pltpu
from jax.experimental.pallas import tpu_sc as plsc

NUM_ITEMS = 100000
NUM_USERS = 100000
LATENT_DIM = 32
BATCH = 1024

BN = 5120
GRID = -(-NUM_ITEMS // BN)
PADDED = GRID * BN
GW = 128 // LATENT_DIM
NEG = -1.0e30



def _make_sc_theta():
    info = plsc.get_sparse_core_info()
    nc, ns = info.num_cores, info.num_subcores
    bpw = BATCH // (nc * ns)
    mesh = plsc.VectorSubcoreMesh(core_axis_name="c", subcore_axis_name="s")

    @functools.partial(
        pl.kernel,
        mesh=mesh,
        out_type=jax.ShapeDtypeStruct((BATCH, 128), jnp.float32),
        scratch_types=[
            pltpu.VMEM((bpw,), jnp.int32),
            pltpu.VMEM((bpw,), jnp.int32),
            pltpu.VMEM((bpw, 128), jnp.float32),
            pltpu.SemaphoreType.DMA,
        ],
    )
    def sc_theta(uidx_hbm, theta_hbm, out_hbm, uidx_v, grp_v, rows_v, sem):
        wid = lax.axis_index("s") * nc + lax.axis_index("c")
        base = wid * bpw
        pltpu.sync_copy(uidx_hbm.at[pl.ds(base, bpw)], uidx_v)
        for j in range(bpw // 16):
            sl = pl.ds(j * 16, 16)
            grp_v[sl] = jnp.right_shift(uidx_v[sl], 2)
        pltpu.async_copy(theta_hbm.at[grp_v], rows_v, sem).wait()
        pltpu.sync_copy(rows_v, out_hbm.at[pl.ds(base, bpw)])

    return sc_theta



def _extract_rows(raw, off):
    acc = jnp.zeros((BATCH, LATENT_DIM), jnp.float32)
    for r in range(GW):
        sub = raw[:, r * LATENT_DIM:(r + 1) * LATENT_DIM]
        acc = acc + jnp.where(off == r, sub, 0.0)
    return acc


def _lse_body(ab_ref, traw_ref, uidx_ref, iidx_ref,
              out_ref, th_ref, s_ref, uch_ref):
    i = pl.program_id(0)

    @pl.when(i == 0)
    def _():
        th_ref[:, :LATENT_DIM] = _extract_rows(traw_ref[...],
                                               uidx_ref[...] % GW)
        th_ref[:, LATENT_DIM:] = jnp.ones((BATCH, 1), jnp.float32)
        s_ref[...] = jnp.zeros((BATCH, 1), jnp.float32)
        uch_ref[...] = jnp.zeros((BATCH, 1), jnp.float32)

    util = lax.dot_general(
        th_ref[...], ab_ref[...], (((1,), (0,)), ((), ())),
        preferred_element_type=jnp.float32)
    e = jnp.exp(util)
    s_ref[...] += jnp.sum(e, axis=1, keepdims=True)
    gid = i * BN + lax.broadcasted_iota(jnp.int32, (1, BN), 1)
    uch_ref[...] += jnp.sum(jnp.where(gid == iidx_ref[...], util, 0.0),
                            axis=1, keepdims=True)

    @pl.when(i == GRID - 1)
    def _():
        out_ref[...] = uch_ref[...] - jnp.log(s_ref[...])


def _tc_lse(ab, theta_raw, uidx_col, iidx_col):
    return pl.pallas_call(
        _lse_body,
        grid=(GRID,),
        in_specs=[
            pl.BlockSpec((LATENT_DIM + 1, BN), lambda i: (0, i)),
            pl.BlockSpec((BATCH, 128), lambda i: (0, 0)),
            pl.BlockSpec((BATCH, 1), lambda i: (0, 0)),
            pl.BlockSpec((BATCH, 1), lambda i: (0, 0)),
        ],
        out_specs=pl.BlockSpec((BATCH, 1), lambda i: (0, 0)),
        out_shape=jax.ShapeDtypeStruct((BATCH, 1), jnp.float32),
        scratch_shapes=[
            pltpu.VMEM((BATCH, LATENT_DIM + 1), jnp.float32),
            pltpu.VMEM((BATCH, 1), jnp.float32),
            pltpu.VMEM((BATCH, 1), jnp.float32),
        ],
    )(ab, theta_raw, uidx_col, iidx_col)


def kernel(user_index, item_index, lambda_item, theta_user, alpha_item):
    uidx = user_index.astype(jnp.int32)
    iidx = item_index.astype(jnp.int32)
    theta_view = theta_user.reshape(NUM_USERS // GW, 128)
    theta_raw = _make_sc_theta()(uidx, theta_view)
    alphaT_p = jnp.pad(alpha_item.T, ((0, 0), (0, PADDED - NUM_ITEMS)))
    lamT_p = jnp.pad(lambda_item.T, ((0, 0), (0, PADDED - NUM_ITEMS)),
                     constant_values=NEG)
    ab = jnp.concatenate([alphaT_p, lamT_p], axis=0)
    log_p = _tc_lse(ab, theta_raw,
                    uidx.reshape(BATCH, 1), iidx.reshape(BATCH, 1))
    return log_p.reshape(BATCH)

# --- scband reference (transcript-rebuilt; emitter-appended) ---
"""Pipeline reference for scband-bembflex-19318762897521 (READ-ONLY COPY).

The authoritative reference and input builder live on the scoring server;
editing this copy changes nothing except your own understanding.
"""

import jax, jax.numpy as jnp
import numpy as np

NUM_ITEMS = 100000
NUM_USERS = 100000
LATENT_DIM = 32
BATCH = 1024


def setup_inputs(seed: int = 0) -> dict:
    key = jax.random.key(seed)
    k1, k2, k3, k4, k5 = jax.random.split(key, 5)
    user_index = jax.random.randint(k1, (BATCH,), 0, NUM_USERS, dtype=jnp.int64 if jax.config.jax_enable_x64 else jnp.int32)
    item_index = jax.random.randint(k2, (BATCH,), 0, NUM_ITEMS, dtype=jnp.int64 if jax.config.jax_enable_x64 else jnp.int32)
    # Variational-mean coefficient tables (learned parameters of BEMBFlex):
    # lambda_item: per-item intercept, dim 1
    # theta_user / alpha_item: factorized user/item latents, dim 32
    lambda_item = jax.random.normal(k3, (NUM_ITEMS, 1), dtype=jnp.float32) * 0.05
    theta_user = jax.random.normal(k4, (NUM_USERS, LATENT_DIM), dtype=jnp.float32) * 0.05
    alpha_item = jax.random.normal(k5, (NUM_ITEMS, LATENT_DIM), dtype=jnp.float32) * 0.05
    return {
        "user_index": user_index,
        "item_index": item_index,
        "lambda_item": lambda_item,
        "theta_user": theta_user,
        "alpha_item": alpha_item,
    }


def reference(user_index, item_index, lambda_item, theta_user, alpha_item):
    # BEMBFlex utility: U[u, i] = lambda_item[i] + theta_user[u] . alpha_item[i]
    # Single category containing all items -> within-category log-softmax over all items.
    theta = jnp.take(theta_user, user_index, axis=0)                    # [B, D] gather
    utility_all = lambda_item[:, 0][None, :] + theta @ alpha_item.T     # [B, I]
    u_chosen = jnp.take_along_axis(utility_all, item_index[:, None], axis=1)[:, 0]  # [B] gather
    log_norm = jax.nn.logsumexp(utility_all, axis=1)                    # [B]
    log_p = u_chosen - log_norm                                         # log P(item | user)
    return log_p

if __name__ == "__main__":
    import jax
    _d = setup_inputs()
    print(jax.jit(kernel)(*tuple(_d.values())))

</pallas_src>

<mosaic_0001>
#map = affine_map<(d0, d1) -> (0)>
#map1 = affine_map<(d0, d1) -> (0, 0)>
module attributes {stable_mosaic.version = 14 : i64} {
  func.func @sc_theta(%arg0: i32, %arg1: i32, %arg2: memref<1024xi32, #tpu.memory_space<hbm>>, %arg3: memref<25000x128xf32, #tpu.memory_space<hbm>>, %arg4: memref<1024x128xf32, #tpu.memory_space<hbm>>, %arg5: memref<32xi32, #tpu.memory_space<vmem>>, %arg6: memref<32xi32, #tpu.memory_space<vmem>>, %arg7: memref<32x128xf32, #tpu.memory_space<vmem>>, %arg8: memref<!tpu.dma_semaphore, #tpu.memory_space<semaphore_mem>>) attributes {dimension_semantics = [#tpu.dimension_semantics<core_parallel>, #tpu.dimension_semantics<subcore_parallel>], iteration_bounds = array<i64: 2, 16>, scalar_prefetch = 0 : i64, scratch_operands = 4 : i64, tpu.core_type = #tpu.core_type<sc_vector_subcore>, window_params = [{transform_indices = #map}, {transform_indices = #map1}, {transform_indices = #map1}]} {
    %mul3A = arith.constant 2 : i32
    %mul3A_0 = arith.muli %arg1, %mul3A : i32
    %add3A = arith.addi %mul3A_0, %arg0 : i32
    %mul3A_1 = arith.constant 32 : i32
    %mul3A_2 = arith.muli %add3A, %mul3A_1 : i32
    "tpu.region"() ({
      %run_scoped3A = tpu.sem_alloc : memref<!tpu.dma_semaphore, #tpu.memory_space<semaphore_mem>>
      %dma_start3A_24 = tpu.memref_slice %arg2[%mul3A_2] : memref<1024xi32, #tpu.memory_space<hbm>> -> memref<32xi32, #tpu.memory_space<hbm>>
      %dma_start3A_25 = tpu.memref_slice %arg2[%mul3A_2] : memref<1024xi32, #tpu.memory_space<hbm>> -> memref<32xi32, #tpu.memory_space<hbm>>
      tpu.enqueue_dma source(%dma_start3A_25 : memref<32xi32, #tpu.memory_space<hbm>>) target(%arg5 : memref<32xi32, #tpu.memory_space<vmem>>) target_semaphore(%run_scoped3A : memref<!tpu.dma_semaphore, #tpu.memory_space<semaphore_mem>>)
      %dma_wait3A_26 = tpu.memref_slice %arg2[%mul3A_2] : memref<1024xi32, #tpu.memory_space<hbm>> -> memref<32xi32, #tpu.memory_space<hbm>>
      %dma_wait3A_27 = tpu.memref_slice %arg2[%mul3A_2] : memref<1024xi32, #tpu.memory_space<hbm>> -> memref<32xi32, #tpu.memory_space<hbm>>
      tpu.wait_dma2 semaphore(%run_scoped3A : memref<!tpu.dma_semaphore, #tpu.memory_space<semaphore_mem>>) src(%dma_wait3A_27 : memref<32xi32, #tpu.memory_space<hbm>>) dst(%arg5 : memref<32xi32, #tpu.memory_space<vmem>>)
      tpu.yield
    }) : () -> ()
    %get3A = arith.constant 0 : index
    %get3A_3 = tpu.vector_load %arg5[%get3A] {strides = array<i32>} : memref<32xi32, #tpu.memory_space<vmem>>, vector<16xi32>,
    %get3A_4 = vector.shape_cast %get3A_3 : vector<16xi32> to vector<16xi32>
    %shift_right_arithmetic3A = arith.constant 2 : i32
    %shift_right_arithmetic3A_5 = vector.broadcast %shift_right_arithmetic3A : i32 to vector<16xi32>
    %shift_right_arithmetic3A_6 = arith.shrsi %get3A_4, %shift_right_arithmetic3A_5 : vector<16xi32>
    %swap3A = arith.constant 0 : index
    %swap3A_7 = tpu.vector_load %arg6[%swap3A] {strides = array<i32>} : memref<32xi32, #tpu.memory_space<vmem>>, vector<16xi32>,
    %swap3A_8 = vector.shape_cast %swap3A_7 : vector<16xi32> to vector<16xi32>
    %swap3A_9 = vector.shape_cast %shift_right_arithmetic3A_6 : vector<16xi32> to vector<16xi32>
    tpu.vector_store %arg6[%swap3A], %swap3A_9 {strides = array<i32>} : memref<32xi32, #tpu.memory_space<vmem>>, vector<16xi32>,
    %get3A_10 = arith.constant 16 : index
    %get3A_11 = tpu.vector_load %arg5[%get3A_10] {strides = array<i32>} : memref<32xi32, #tpu.memory_space<vmem>>, vector<16xi32>,
    %get3A_12 = vector.shape_cast %get3A_11 : vector<16xi32> to vector<16xi32>
    %shift_right_arithmetic3A_13 = arith.constant 2 : i32
    %shift_right_arithmetic3A_14 = vector.broadcast %shift_right_arithmetic3A_13 : i32 to vector<16xi32>
    %shift_right_arithmetic3A_15 = arith.shrsi %get3A_12, %shift_right_arithmetic3A_14 : vector<16xi32>
    %swap3A_16 = arith.constant 16 : index
    %swap3A_17 = tpu.vector_load %arg6[%swap3A_16] {strides = array<i32>} : memref<32xi32, #tpu.memory_space<vmem>>, vector<16xi32>,
    %swap3A_18 = vector.shape_cast %swap3A_17 : vector<16xi32> to vector<16xi32>
    %swap3A_19 = vector.shape_cast %shift_right_arithmetic3A_15 : vector<16xi32> to vector<16xi32>
    tpu.vector_store %arg6[%swap3A_16], %swap3A_19 {strides = array<i32>} : memref<32xi32, #tpu.memory_space<vmem>>, vector<16xi32>,
    %dma_start3A = arith.constant 0 : i32
    %dma_start3A_20 = arith.constant 0 : i32
    %dma_start3A_21 = tpu.memref_slice %arg3[%dma_start3A, %dma_start3A_20] : memref<25000x128xf32, #tpu.memory_space<hbm>> -> memref<25000x128xf32, #tpu.memory_space<hbm>>
    tpu.enqueue_indirect_dma source(%dma_start3A_21 : memref<25000x128xf32, #tpu.memory_space<hbm>>) target(%arg7 : memref<32x128xf32, #tpu.memory_space<vmem>>) offsets(%arg6 : memref<32xi32, #tpu.memory_space<vmem>>) semaphore(%arg8 : memref<!tpu.dma_semaphore, #tpu.memory_space<semaphore_mem>>)
    %dma_wait3A = arith.constant 0 : i32
    %dma_wait3A_22 = arith.constant 0 : i32
    %dma_wait3A_23 = tpu.memref_slice %arg3[%dma_wait3A, %dma_wait3A_22] : memref<25000x128xf32, #tpu.memory_space<hbm>> -> memref<25000x128xf32, #tpu.memory_space<hbm>>
    tpu.wait_indirect_dma semaphore(%arg8 : memref<!tpu.dma_semaphore, #tpu.memory_space<semaphore_mem>>) src(%dma_wait3A_23 : memref<25000x128xf32, #tpu.memory_space<hbm>>) dst(%arg7 : memref<32x128xf32, #tpu.memory_space<vmem>>)
    "tpu.region"() ({
      %run_scoped3A = tpu.sem_alloc : memref<!tpu.dma_semaphore, #tpu.memory_space<semaphore_mem>>
      %dma_start3A_24 = arith.constant 0 : i32
      %dma_start3A_25 = tpu.memref_slice %arg4[%mul3A_2, %dma_start3A_24] : memref<1024x128xf32, #tpu.memory_space<hbm>> -> memref<32x128xf32, #tpu.memory_space<hbm>>
      %dma_start3A_26 = arith.constant 0 : i32
      %dma_start3A_27 = tpu.memref_slice %arg4[%mul3A_2, %dma_start3A_26] : memref<1024x128xf32, #tpu.memory_space<hbm>> -> memref<32x128xf32, #tpu.memory_space<hbm>>
      tpu.enqueue_dma source(%arg7 : memref<32x128xf32, #tpu.memory_space<vmem>>) target(%dma_start3A_27 : memref<32x128xf32, #tpu.memory_space<hbm>>) target_semaphore(%run_scoped3A : memref<!tpu.dma_semaphore, #tpu.memory_space<semaphore_mem>>)
      %dma_wait3A_28 = arith.constant 0 : i32
      %dma_wait3A_29 = tpu.memref_slice %arg4[%mul3A_2, %dma_wait3A_28] : memref<1024x128xf32, #tpu.memory_space<hbm>> -> memref<32x128xf32, #tpu.memory_space<hbm>>
      %dma_wait3A_30 = arith.constant 0 : i32
      %dma_wait3A_31 = tpu.memref_slice %arg4[%mul3A_2, %dma_wait3A_30] : memref<1024x128xf32, #tpu.memory_space<hbm>> -> memref<32x128xf32, #tpu.memory_space<hbm>>
      tpu.wait_dma2 semaphore(%run_scoped3A : memref<!tpu.dma_semaphore, #tpu.memory_space<semaphore_mem>>) src(%arg7 : memref<32x128xf32, #tpu.memory_space<vmem>>) dst(%dma_wait3A_31 : memref<32x128xf32, #tpu.memory_space<hbm>>)
      tpu.yield
    }) : () -> ()
    return
  }
}

module attributes {stable_mosaic.version = 14 : i64} {
  func.func @_lse_body(%arg0: i32, %arg1: memref<33x5120xf32, #tpu.memory_space<vmem>>, %arg2: memref<1024x128xf32, #tpu.memory_space<vmem>>, %arg3: memref<1024x1xi32, #tpu.memory_space<vmem>>, %arg4: memref<1024x1xi32, #tpu.memory_space<vmem>>, %arg5: memref<1024x1xf32, #tpu.memory_space<vmem>>, %arg6: memref<1024x33xf32, #tpu.memory_space<vmem>>, %arg7: memref<1024x1xf32, #tpu.memory_space<vmem>>, %arg8: memref<1024x1xf32, #tpu.memory_space<vmem>>) attributes {dimension_semantics = [#tpu.dimension_semantics<arbitrary>], iteration_bounds = array<i64: 20>, scalar_prefetch = 0 : i64, scratch_operands = 3 : i64, tpu.core_type = #tpu.core_type<tc>, window_params = [{transform_indices = @transform_0, window_bounds = array<i64: 33, 5120>}, {pipeline_mode = #tpu.pipeline_mode<synchronous>, transform_indices = @transform_1, window_bounds = array<i64: 1024, 128>}, {pipeline_mode = #tpu.pipeline_mode<synchronous>, transform_indices = @transform_2, window_bounds = array<i64: 1024, 1>}, {pipeline_mode = #tpu.pipeline_mode<synchronous>, transform_indices = @transform_3, window_bounds = array<i64: 1024, 1>}, {pipeline_mode = #tpu.pipeline_mode<synchronous>, transform_indices = @transform_4, window_bounds = array<i64: 1024, 1>}]} {
    %eq3A = arith.constant 0 : i32
    %eq3A_0 = arith.cmpi eq, %arg0, %eq3A : i32
    %convert_element_type3A = arith.extui %eq3A_0 : i1 to i32
    %cond3A = arith.constant 0 : i32
    %cond3A_1 = arith.cmpi ne, %convert_element_type3A, %cond3A : i32
    scf.if %cond3A_1 {
      %get3A_39 = arith.constant 0 : index
      %get3A_40 = arith.constant 0 : index
      %get3A_41 = vector.load %arg2[%get3A_39, %get3A_40] : memref<1024x128xf32, #tpu.memory_space<vmem>>, vector<1024x128xf32>
      %get3A_42 = arith.constant 0 : index
      %get3A_43 = arith.constant 0 : index
      %get3A_44 = vector.load %arg3[%get3A_42, %get3A_43] : memref<1024x1xi32, #tpu.memory_space<vmem>>, vector<1024x1xi32>
      %jit3A_45 = arith.constant 4 : i32
      %eq3A_46 = arith.constant 0 : i32
      %eq3A_47 = arith.cmpi eq, %jit3A_45, %eq3A_46 : i32
      %jit3A_48 = arith.constant 1 : i32
      %select_n3A_49 = arith.select %eq3A_47, %jit3A_48, %jit3A_45 : i32
      %rem3A = vector.broadcast %select_n3A_49 : i32 to vector<1024x1xi32>
      %rem3A_50 = arith.remsi %get3A_44, %rem3A : vector<1024x1xi32>
      %ne3A = arith.constant 0 : i32
      %ne3A_51 = vector.broadcast %ne3A : i32 to vector<1024x1xi32>
      %ne3A_52 = arith.cmpi ne, %rem3A_50, %ne3A_51 : vector<1024x1xi32>
      %lt3A = arith.constant 0 : i32
      %lt3A_53 = vector.broadcast %lt3A : i32 to vector<1024x1xi32>
      %lt3A_54 = arith.cmpi slt, %rem3A_50, %lt3A_53 : vector<1024x1xi32>
      %lt3A_55 = arith.constant 0 : i32
      %lt3A_56 = arith.cmpi slt, %select_n3A_49, %lt3A_55 : i32
      %ne3A_57 = vector.broadcast %lt3A_56 : i1 to vector<1024x1xi1>
      %ne3A_58 = vector.broadcast %ne3A_57 : vector<1024x1xi1> to vector<1024x1xi1>
      %ne3A_59 = arith.xori %lt3A_54, %ne3A_58 : vector<1024x1xi1>
      %and3A = arith.andi %ne3A_59, %ne3A_52 : vector<1024x1xi1>
      %add3A_60 = vector.broadcast %select_n3A_49 : i32 to vector<1024x1xi32>
      %add3A_61 = arith.addi %rem3A_50, %add3A_60 : vector<1024x1xi32>
      %select_n3A_62 = arith.select %and3A, %add3A_61, %rem3A_50 : vector<1024x1xi1>, vector<1024x1xi32>
      %broadcast_in_dim3A_63 = arith.constant 0.000000e+00 : f32
      %broadcast_in_dim3A_64 = vector.broadcast %broadcast_in_dim3A_63 : f32 to vector<1024x32xf32>
      %slice3A = vector.extract_strided_slice %get3A_41 {offsets = [0, 0], sizes = [1024, 32], strides = [1, 1]} : vector<1024x128xf32> to vector<1024x32xf32>
      %eq3A_65 = arith.constant 0 : i32
      %eq3A_66 = vector.broadcast %eq3A_65 : i32 to vector<1024x1xi32>
      %eq3A_67 = arith.cmpi eq, %select_n3A_62, %eq3A_66 : vector<1024x1xi32>
      %jit3A_68 = arith.constant 0.000000e+00 : f32
      %broadcast_in_dim3A_69 = vector.shape_cast %eq3A_67 : vector<1024x1xi1> to vector<1024x1xi1>
      %broadcast_in_dim3A_70 = vector.broadcast %broadcast_in_dim3A_69 : vector<1024x1xi1> to vector<1024x32xi1>
      %broadcast_in_dim3A_71 = vector.broadcast %jit3A_68 : f32 to vector<1024x32xf32>
      %select_n3A_72 = arith.select %broadcast_in_dim3A_70, %slice3A, %broadcast_in_dim3A_71 : vector<1024x32xi1>, vector<1024x32xf32>
      %add3A_73 = arith.addf %broadcast_in_dim3A_64, %select_n3A_72 : vector<1024x32xf32>
      %slice3A_74 = vector.extract_strided_slice %get3A_41 {offsets = [0, 32], sizes = [1024, 32], strides = [1, 1]} : vector<1024x128xf32> to vector<1024x32xf32>
      %eq3A_75 = arith.constant 1 : i32
      %eq3A_76 = vector.broadcast %eq3A_75 : i32 to vector<1024x1xi32>
      %eq3A_77 = arith.cmpi eq, %select_n3A_62, %eq3A_76 : vector<1024x1xi32>
      %jit3A_78 = arith.constant 0.000000e+00 : f32
      %broadcast_in_dim3A_79 = vector.shape_cast %eq3A_77 : vector<1024x1xi1> to vector<1024x1xi1>
      %broadcast_in_dim3A_80 = vector.broadcast %broadcast_in_dim3A_79 : vector<1024x1xi1> to vector<1024x32xi1>
      %broadcast_in_dim3A_81 = vector.broadcast %jit3A_78 : f32 to vector<1024x32xf32>
      %select_n3A_82 = arith.select %broadcast_in_dim3A_80, %slice3A_74, %broadcast_in_dim3A_81 : vector<1024x32xi1>, vector<1024x32xf32>
      %add3A_83 = arith.addf %add3A_73, %select_n3A_82 : vector<1024x32xf32>
      %slice3A_84 = vector.extract_strided_slice %get3A_41 {offsets = [0, 64], sizes = [1024, 32], strides = [1, 1]} : vector<1024x128xf32> to vector<1024x32xf32>
      %eq3A_85 = arith.constant 2 : i32
      %eq3A_86 = vector.broadcast %eq3A_85 : i32 to vector<1024x1xi32>
      %eq3A_87 = arith.cmpi eq, %select_n3A_62, %eq3A_86 : vector<1024x1xi32>
      %jit3A_88 = arith.constant 0.000000e+00 : f32
      %broadcast_in_dim3A_89 = vector.shape_cast %eq3A_87 : vector<1024x1xi1> to vector<1024x1xi1>
      %broadcast_in_dim3A_90 = vector.broadcast %broadcast_in_dim3A_89 : vector<1024x1xi1> to vector<1024x32xi1>
      %broadcast_in_dim3A_91 = vector.broadcast %jit3A_88 : f32 to vector<1024x32xf32>
      %select_n3A_92 = arith.select %broadcast_in_dim3A_90, %slice3A_84, %broadcast_in_dim3A_91 : vector<1024x32xi1>, vector<1024x32xf32>
      %add3A_93 = arith.addf %add3A_83, %select_n3A_92 : vector<1024x32xf32>
      %slice3A_94 = vector.extract_strided_slice %get3A_41 {offsets = [0, 96], sizes = [1024, 32], strides = [1, 1]} : vector<1024x128xf32> to vector<1024x32xf32>
      %eq3A_95 = arith.constant 3 : i32
      %eq3A_96 = vector.broadcast %eq3A_95 : i32 to vector<1024x1xi32>
      %eq3A_97 = arith.cmpi eq, %select_n3A_62, %eq3A_96 : vector<1024x1xi32>
      %jit3A_98 = arith.constant 0.000000e+00 : f32
      %broadcast_in_dim3A_99 = vector.shape_cast %eq3A_97 : vector<1024x1xi1> to vector<1024x1xi1>
      %broadcast_in_dim3A_100 = vector.broadcast %broadcast_in_dim3A_99 : vector<1024x1xi1> to vector<1024x32xi1>
      %broadcast_in_dim3A_101 = vector.broadcast %jit3A_98 : f32 to vector<1024x32xf32>
      %select_n3A_102 = arith.select %broadcast_in_dim3A_100, %slice3A_94, %broadcast_in_dim3A_101 : vector<1024x32xi1>, vector<1024x32xf32>
      %add3A_103 = arith.addf %add3A_93, %select_n3A_102 : vector<1024x32xf32>
      %swap3A_104 = arith.constant 0 : index
      %swap3A_105 = arith.constant 0 : index
      %swap3A_106 = vector.load %arg6[%swap3A_104, %swap3A_105] : memref<1024x33xf32, #tpu.memory_space<vmem>>, vector<1024x32xf32>
      tpu.vector_store %arg6[%swap3A_104, %swap3A_105], %add3A_103 {strides = array<i32>} : memref<1024x33xf32, #tpu.memory_space<vmem>>, vector<1024x32xf32>,
      %broadcast_in_dim3A_107 = arith.constant 1.000000e+00 : f32
      %broadcast_in_dim3A_108 = vector.broadcast %broadcast_in_dim3A_107 : f32 to vector<1024x1xf32>
      %swap3A_109 = arith.constant 0 : index
      %swap3A_110 = arith.constant 32 : index
      %swap3A_111 = vector.load %arg6[%swap3A_109, %swap3A_110] : memref<1024x33xf32, #tpu.memory_space<vmem>>, vector<1024x1xf32>
      tpu.vector_store %arg6[%swap3A_109, %swap3A_110], %broadcast_in_dim3A_108 {strides = array<i32>} : memref<1024x33xf32, #tpu.memory_space<vmem>>, vector<1024x1xf32>,
      %broadcast_in_dim3A_112 = arith.constant 0.000000e+00 : f32
      %broadcast_in_dim3A_113 = vector.broadcast %broadcast_in_dim3A_112 : f32 to vector<1024x1xf32>
      %swap3A_114 = arith.constant 0 : index
      %swap3A_115 = arith.constant 0 : index
      %swap3A_116 = vector.load %arg7[%swap3A_114, %swap3A_115] : memref<1024x1xf32, #tpu.memory_space<vmem>>, vector<1024x1xf32>
      tpu.vector_store %arg7[%swap3A_114, %swap3A_115], %broadcast_in_dim3A_113 {strides = array<i32>} : memref<1024x1xf32, #tpu.memory_space<vmem>>, vector<1024x1xf32>,
      %broadcast_in_dim3A_117 = arith.constant 0.000000e+00 : f32
      %broadcast_in_dim3A_118 = vector.broadcast %broadcast_in_dim3A_117 : f32 to vector<1024x1xf32>
      %swap3A_119 = arith.constant 0 : index
      %swap3A_120 = arith.constant 0 : index
      %swap3A_121 = vector.load %arg8[%swap3A_119, %swap3A_120] : memref<1024x1xf32, #tpu.memory_space<vmem>>, vector<1024x1xf32>
      tpu.vector_store %arg8[%swap3A_119, %swap3A_120], %broadcast_in_dim3A_118 {strides = array<i32>} : memref<1024x1xf32, #tpu.memory_space<vmem>>, vector<1024x1xf32>,
    } else {
    }
    %get3A = arith.constant 0 : index
    %get3A_2 = arith.constant 0 : index
    %get3A_3 = vector.load %arg6[%get3A, %get3A_2] : memref<1024x33xf32, #tpu.memory_space<vmem>>, vector<1024x33xf32>
    %get3A_4 = arith.constant 0 : index
    %get3A_5 = arith.constant 0 : index
    %get3A_6 = vector.load %arg1[%get3A_4, %get3A_5] : memref<33x5120xf32, #tpu.memory_space<vmem>>, vector<33x5120xf32>
    %dot_general3A = arith.constant dense<0.000000e+00> : vector<1024x5120xf32>
    %dot_general3A_7 = tpu.matmul %get3A_3, %get3A_6, %dot_general3A {dimension_numbers = #tpu.dot_dimension_numbers<[1], [0], [0], [1], [0, 0, 1, 1], [], []>, transpose_lhs_hint = false} : vector<1024x33xf32>, vector<33x5120xf32>, vector<1024x5120xf32> -> vector<1024x5120xf32>
    %exp3A = math.exp %dot_general3A_7 : vector<1024x5120xf32>
    %get3A_8 = arith.constant 0 : index
    %get3A_9 = arith.constant 0 : index
    %get3A_10 = vector.load %arg7[%get3A_8, %get3A_9] : memref<1024x1xf32, #tpu.memory_space<vmem>>, vector<1024x1xf32>
    %reduce_sum3A = arith.constant dense<0.000000e+00> : vector<1024xf32>
    %reduce_sum3A_11 = vector.multi_reduction <add>, %exp3A, %reduce_sum3A [1] : vector<1024x5120xf32> to vector<1024xf32>
    %broadcast_in_dim3A = vector.shape_cast %reduce_sum3A_11 : vector<1024xf32> to vector<1024x1xf32>
    %add3A = arith.addf %get3A_10, %broadcast_in_dim3A : vector<1024x1xf32>
    %swap3A = arith.constant 0 : index
    %swap3A_12 = arith.constant 0 : index
    %swap3A_13 = vector.load %arg7[%swap3A, %swap3A_12] : memref<1024x1xf32, #tpu.memory_space<vmem>>, vector<1024x1xf32>
    tpu.vector_store %arg7[%swap3A, %swap3A_12], %add3A {strides = array<i32>} : memref<1024x1xf32, #tpu.memory_space<vmem>>, vector<1024x1xf32>,
    %mul3A = arith.constant 5120 : i32
    %mul3A_14 = arith.muli %arg0, %mul3A : i32
    %iota3A = tpu.iota {dimensions = array<i32: 1>} : vector<1x5120xi32>
    %add3A_15 = vector.broadcast %mul3A_14 : i32 to vector<1x5120xi32>
    %add3A_16 = arith.addi %add3A_15, %iota3A : vector<1x5120xi32>
    %get3A_17 = arith.constant 0 : index
    %get3A_18 = arith.constant 0 : index
    %get3A_19 = vector.load %arg8[%get3A_17, %get3A_18] : memref<1024x1xf32, #tpu.memory_space<vmem>>, vector<1024x1xf32>
    %get3A_20 = arith.constant 0 : index
    %get3A_21 = arith.constant 0 : index
    %get3A_22 = vector.load %arg4[%get3A_20, %get3A_21] : memref<1024x1xi32, #tpu.memory_space<vmem>>, vector<1024x1xi32>
    %eq3A_23 = vector.broadcast %add3A_16 : vector<1x5120xi32> to vector<1024x5120xi32>
    %eq3A_24 = vector.broadcast %get3A_22 : vector<1024x1xi32> to vector<1024x5120xi32>
    %eq3A_25 = arith.cmpi eq, %eq3A_23, %eq3A_24 : vector<1024x5120xi32>
    %jit3A = arith.constant 0.000000e+00 : f32
    %broadcast_in_dim3A_26 = vector.broadcast %jit3A : f32 to vector<1024x5120xf32>
    %select_n3A = arith.select %eq3A_25, %dot_general3A_7, %broadcast_in_dim3A_26 : vector<1024x5120xi1>, vector<1024x5120xf32>
    %reduce_sum3A_27 = arith.constant dense<0.000000e+00> : vector<1024xf32>
    %reduce_sum3A_28 = vector.multi_reduction <add>, %select_n3A, %reduce_sum3A_27 [1] : vector<1024x5120xf32> to vector<1024xf32>
    %broadcast_in_dim3A_29 = vector.shape_cast %reduce_sum3A_28 : vector<1024xf32> to vector<1024x1xf32>
    %add3A_30 = arith.addf %get3A_19, %broadcast_in_dim3A_29 : vector<1024x1xf32>
    %swap3A_31 = arith.constant 0 : index
    %swap3A_32 = arith.constant 0 : index
    %swap3A_33 = vector.load %arg8[%swap3A_31, %swap3A_32] : memref<1024x1xf32, #tpu.memory_space<vmem>>, vector<1024x1xf32>
    tpu.vector_store %arg8[%swap3A_31, %swap3A_32], %add3A_30 {strides = array<i32>} : memref<1024x1xf32, #tpu.memory_space<vmem>>, vector<1024x1xf32>,
    %eq3A_34 = arith.constant 19 : i32
    %eq3A_35 = arith.cmpi eq, %arg0, %eq3A_34 : i32
    %convert_element_type3A_36 = arith.extui %eq3A_35 : i1 to i32
    %cond3A_37 = arith.constant 0 : i32
    %cond3A_38 = arith.cmpi ne, %convert_element_type3A_36, %cond3A_37 : i32
    scf.if %cond3A_38 {
      %get3A_39 = arith.constant 0 : index
      %get3A_40 = arith.constant 0 : index
      %get3A_41 = vector.load %arg8[%get3A_39, %get3A_40] : memref<1024x1xf32, #tpu.memory_space<vmem>>, vector<1024x1xf32>
      %get3A_42 = arith.constant 0 : index
      %get3A_43 = arith.constant 0 : index
      %get3A_44 = vector.load %arg7[%get3A_42, %get3A_43] : memref<1024x1xf32, #tpu.memory_space<vmem>>, vector<1024x1xf32>
      %log3A = math.log %get3A_44 : vector<1024x1xf32>
      %sub3A = arith.subf %get3A_41, %log3A : vector<1024x1xf32>
      %swap3A_45 = arith.constant 0 : index
      %swap3A_46 = arith.constant 0 : index
      %swap3A_47 = vector.load %arg5[%swap3A_45, %swap3A_46] : memref<1024x1xf32, #tpu.memory_space<vmem>>, vector<1024x1xf32>
      tpu.vector_store %arg5[%swap3A_45, %swap3A_46], %sub3A {strides = array<i32>} : memref<1024x1xf32, #tpu.memory_space<vmem>>, vector<1024x1xf32>,
    } else {
    }
    return
  }
  func.func @transform_0(%arg0: i32) -> (i32, i32) {
    %c0_i32 = arith.constant 0 : i32
    %c0_i32_0 = arith.constant 0 : i32
    return %c0_i32, %arg0 : i32, i32
  }
  func.func @transform_1(%arg0: i32) -> (i32, i32) {
    %c0_i32 = arith.constant 0 : i32
    %c0_i32_0 = arith.constant 0 : i32
    %c0_i32_1 = arith.constant 0 : i32
    return %c0_i32, %c0_i32_0 : i32, i32
  }
  func.func @transform_2(%arg0: i32) -> (i32, i32) {
    %c0_i32 = arith.constant 0 : i32
    %c0_i32_0 = arith.constant 0 : i32
    %c0_i32_1 = arith.constant 0 : i32
    return %c0_i32, %c0_i32_0 : i32, i32
  }
  func.func @transform_3(%arg0: i32) -> (i32, i32) {
    %c0_i32 = arith.constant 0 : i32
    %c0_i32_0 = arith.constant 0 : i32
    %c0_i32_1 = arith.constant 0 : i32
    return %c0_i32, %c0_i32_0 : i32, i32
  }
  func.func @transform_4(%arg0: i32) -> (i32, i32) {
    %c0_i32 = arith.constant 0 : i32
    %c0_i32_0 = arith.constant 0 : i32
    %c0_i32_1 = arith.constant 0 : i32
    return %c0_i32, %c0_i32_0 : i32, i32
  }
}

</mosaic_0001>

<sc_bundles>
// kernel: kernel.4.cloned.1.call-start
scs
__scs_entry_jumppad:
0x0: {  	(pc) =	sbr.rel $0x88, $3  }
0x1: {  	(tag) =	ssettag $0x0;
	lr =	simm.s32 $0x1  }
0x2: {  	[smem:$0x3F9C] =	sst lr;
	_ =	strace $0xD0000000  }
0x3: {  	_ = 	snop  }
0x4: {  	_ = 	snop  }
0x5: {  	_ = 	snop  }
0x6: {  	_ = 	snop  }
0x7: {  	_ = 	snop  }
__scs_overlays_trampoline_lowered:
0x8: {  	[smem:$0x3FAB] =	sst s0  }
0x9: {  	[smem:$0x3FAC] =	sst s1  }
0xa: {  	[smem:$0x3FAD] =	sst s2  }
0xb: {  	[smem:$0x3FAE] =	sst s3  }
0xc: {  	[smem:$0x3FAF] =	sst s4  }
0xd: {  	[smem:$0x3FB0] =	sst s5  }
0xe: {  	[smem:$0x3FB1] =	sst s6  }
0xf: {  	[smem:$0x3FB2] =	sst s7  }
0x10: {  	[smem:$0x3FB3] =	sst s8  }
0x11: {  	[smem:$0x3FB4] =	sst s9;
	s0 =	simm.s32 @!p0 $0x0  }
0x12: {  	s1 =	sld [smem:$0x3F9A];
	s0 =	simm.s32 @p0 $0x1  }
0x13: {  	[smem:$0x3FB5] =	sst s0;
	s0 =	simm.s32 @!p1 $0x0  }
0x14: {  	s2 =	sld [smem:$0x3F99];
	s0 =	simm.s32 @p1 $0x1  }
0x15: {  	[smem:$0x3FB6] =	sst s0;
	s0 =	simm.s32 @!p2 $0x0  }
0x16: {  	s3 =	sld [smem:$0x3FDB];
	s0 =	simm.s32 @p2 $0x1  }
0x17: {  	s4 =	simm.s32 $0x1BF5;
	[smem:$0x3FB8] =	sst s0  }
0x18: {  	s0 =	sld [smem:$0x3F9B];
	_ =	swait.ge [sflag:s4], $0x0  }
0x19: {  	s7 =	sld [smem:$0x3F9C]  }
0x1a: {  	s8 =	sadd.s32 $0xFFFFE003, lr  }
0x1b: {  	s9 =	sadd.s32 $0xFFFFFEF7, lr;
	s5 =	simm.s32 $0xFFFFFFFF;
	p2 =	slt.u32 s8, $0xFFFFF086  }
0x1c: {  	p1 =	slt.u32 s9, $0xF7A;
	s5 =	simm.s32 @!p2 $0x0  }
0x1d: {  	s5 =	simm.s32 @p1 $0x1;
	p0 =	seq.s32 s7, s2  }
0x1e: {  	s7 =	smul.u32 @!p0 $0xF7A, s2;
	p2 =	seq.s32 @!p0 s5, $0x0  }
0x1f: {  	s9 =	smul.u32 $0xF7A, s1;
	s8 =	simm.s32 @!p0 $0x1BF5;
	p2 =	por !p2, p0  }
0x20: {  	[sflag:s8] =	ssyncset.s32 @!p0 $0xFFFFF086;
	s6 =	sadd.s32 @!p0 s3, s7;
	s7 =	simm.s32 @!p0 $0x108  }
0x21: {  	s3 =	sadd.s32 s3, s9;
	s6 =	sadd.s32 @!p0 $0x88, s6;
	s7 =	simm.s32 @p2 $0x1082  }
0x22: {  	[simem:s7], [sflag:s8] =	dma.local @!p0 [hbm:s6], $0xF7A  }
0x23: {  	s9 =	sor.u32 $0xD0000000, s2;
	s6 =	simm.s32 $0x108;
	_ =	swait.ge @!p0 [sflag:s8], $0x0  }
0x24: {  	s3 =	sadd.s32 $0x88, s3;
	s6 =	simm.s32 @!p1 $0x1082;
	[sflag:s4] =	ssyncset.s32 $0xFFFFF086  }
0x25: {  	[simem:s6], [sflag:s4] =	dma.local [hbm:s3], $0xF7A  }
0x26: {  	[smem:$0x3F9C] =	sst s1;
	(tag) =	ssettag s2;
	_ =	strace s9  }
0x27: {  	s1 =	sld [smem:$0x3FAC]  }
0x28: {  	s2 =	sld [smem:$0x3FAD]  }
0x29: {  	s4 =	sld [smem:$0x3FAF]  }
0x2a: {  	p0 =	seq.s32 s5, $0x0;
	s5 =	sld [smem:$0x3FB0]  }
0x2b: {  	s6 =	sld [smem:$0x3FB1]  }
0x2c: {  	s7 =	sld [smem:$0x3FB2]  }
0x2d: {  	s3 =	simm.s32 $0x108;
	s8 =	sld [smem:$0x3FB3]  }
0x2e: {  	s3 =	simm.s32 @!p0 $0x1082;
	s9 =	sld [smem:$0x3FB4]  }
0x2f: {  	lr =	sadd.s32 s0, s3;
	s0 =	sld [smem:$0x3FAB]  }
0x30: {  	s3 =	sld [smem:$0x3FAE]  }
0x31: {  	[smem:$0x3FB7] =	sst s10  }
0x32: {  	s10 =	sld [smem:$0x3FB5];
	_ =	sdelay $0x3  }
0x33: {  	p0 =	seq.s32 s10, $0x1;
	s10 =	sld [smem:$0x3FB7];
	_ =	sdelay $0x3  }
0x34: {  	[smem:$0x3FB7] =	sst s10  }
0x35: {  	s10 =	sld [smem:$0x3FB6];
	_ =	sdelay $0x3  }
0x36: {  	p1 =	seq.s32 s10, $0x1;
	s10 =	sld [smem:$0x3FB7];
	_ =	sdelay $0x3  }
0x37: {  	[smem:$0x3FB7] =	sst s10  }
0x38: {  	s10 =	sld [smem:$0x3FB8]  }
0x39: {  	_ = 	snop;
	(pc) =	sbr.ind lr, $3  }
0x3a: {  	_ = 	snop  }
0x3b: {  	_ = 	snop  }
0x3c: {  	p2 =	seq.s32 s10, $0x1;
	s10 =	sld [smem:$0x3FB7]  }
0x3d: {  	_ =	shalt  }
0x3e: {  	_ =	shalt  }
0x3f: {  	_ =	shalt  }
0x40: {  	_ =	shalt  }
0x41: {  	_ =	shalt  }
0x42: {  	_ =	shalt  }
0x43: {  	_ =	shalt  }
0x44: {  	_ =	shalt  }
0x45: {  	_ =	shalt  }
0x46: {  	_ =	shalt  }
0x47: {  	_ =	shalt  }
0x48: {  	_ =	shalt  }
0x49: {  	_ =	shalt  }
0x4a: {  	_ =	shalt  }
0x4b: {  	_ =	shalt  }
0x4c: {  	_ =	shalt  }
0x4d: {  	_ =	shalt  }
0x4e: {  	_ =	shalt  }
0x4f: {  	_ =	shalt  }
0x50: {  	_ =	shalt  }
0x51: {  	_ =	shalt  }
0x52: {  	_ =	shalt  }
0x53: {  	_ =	shalt  }
0x54: {  	_ =	shalt  }
0x55: {  	_ =	shalt  }
0x56: {  	_ =	shalt  }
0x57: {  	_ =	shalt  }
0x58: {  	_ =	shalt  }
0x59: {  	_ =	shalt  }
0x5a: {  	_ =	shalt  }
0x5b: {  	_ =	shalt  }
0x5c: {  	_ =	shalt  }
0x5d: {  	_ =	shalt  }
0x5e: {  	_ =	shalt  }
0x5f: {  	_ =	shalt  }
0x60: {  	_ =	shalt  }
0x61: {  	_ =	shalt  }
0x62: {  	_ =	shalt  }
0x63: {  	_ =	shalt  }
0x64: {  	_ =	shalt  }
0x65: {  	_ =	shalt  }
0x66: {  	_ =	shalt  }
0x67: {  	_ =	shalt  }
0x68: {  	_ =	shalt  }
0x69: {  	_ =	shalt  }
0x6a: {  	_ =	shalt  }
0x6b: {  	_ =	shalt  }
0x6c: {  	_ =	shalt  }
0x6d: {  	_ =	shalt  }
0x6e: {  	_ =	shalt  }
0x6f: {  	_ =	shalt  }
0x70: {  	_ =	shalt  }
0x71: {  	_ =	shalt  }
0x72: {  	_ =	shalt  }
0x73: {  	_ =	shalt  }
0x74: {  	_ =	shalt  }
0x75: {  	_ =	shalt  }
0x76: {  	_ =	shalt  }
0x77: {  	_ =	shalt  }
0x78: {  	_ =	shalt  }
0x79: {  	_ =	shalt  }
0x7a: {  	_ =	shalt  }
0x7b: {  	_ =	shalt  }
0x7c: {  	_ =	shalt  }
0x7d: {  	_ =	shalt  }
0x7e: {  	_ =	shalt  }
0x7f: {  	_ =	shalt  }
0x80: {  	_ =	shalt  }
0x81: {  	_ =	shalt  }
0x82: {  	_ =	shalt  }
0x83: {  	_ =	shalt  }
0x84: {  	_ =	shalt  }
0x85: {  	_ =	shalt  }
0x86: {  	_ =	shalt  }
0x87: {  	_ =	shalt  }
.Lfunc_end0:
.L_simem_size_0:
called_computation_lowered:
.L_overlay_start_0:
0x88: {  	s2 =	sld [smem:$0x3FD9]  }
0x89: {  	s3 =	sld [smem:$0x3FFE];
	_ =	sdelay $0x1  }
0x8a: {  	s1 =	srdreg.scid  }
0x8b: {  	s0 =	sand.u32 $0x1, s1  }
0x8c: {  	s17 =	sshll.u32 s0, $0xA;
	s2 =	sadd.s32 s3, s2  }
0x8d: {  	s2 =	sadd.s32 s2, s17  }
0x8e: {  	[smem:$0x3FC3] =	sst s2  }
0x8f: {  	_ = 	snop  }
0x90: {  	s2 =	sld [smem:$0x3FC9];
	(tm) =	ssettm $0x1  }
0x91: {  	s18 =	sld [smem:$0x3FFB];
	_ =	sdelay $0x3  }
0x92: {  	_ =	strace s18  }
0x93: {  	s3 =	sld [smem:$0x3FFC];
	_ =	sdelay $0x3  }
0x94: {  	_ =	strace s3  }
0x95: {  	s3 =	sld [smem:$0x3FFD];
	_ =	sdelay $0x3  }
0x96: {  	_ =	strace s3  }
0x97: {  	_ =	strace $0x8FFFFFFF  }
0x98: {  	s19 =	sld [smem:$0x3FDB];
	_ =	sdelay $0x1  }
0x99: {  	s4 =	simm.s32 $_scs_section_size  }
0x9a: {  	s5 =	simm.s32 $_size__tile_overlayer_lowered;
	s6 =	simm.s32 $_tile_overlayer_lowered  }
0x9b: {  	s22 =	simm.s32 $0x1BFF;
	s21 =	sshll.u32 s6, $0x1;
	s3 =	sadd.s32 s4, s19  }
0x9c: {  	s7 =	simm.s32 $0x0;
	s20 =	sshll.u32 s5, $0x1;
	s5 =	sadd.s32 s21, s3  }
0x9d: {  	[timem:s7], [sflag:s22] =	dma.local [hbm:s5], s20  }
0x9e: {  	_ =	swait.ge [sflag:s22], s20  }
0x9f: {  	s4 =	ssub.s32 $0x0, s20;
	[sflag:s22] =	ssyncset.done $0x0  }
0xa0: {  	[sflag:s22] =	ssyncadd.s32 s4;
	_ =	sdelay $0x1  }
0xa1: {  	s23 =	simm.s32 $0x1B8B  }
0xa2: {  	_ =	swait.ge [sflag:s23], $0x1  }
0xa3: {  	[sflag:s23] =	ssyncset.done $0x0  }
0xa4: {  	s25 =	simm.s32 $0x1B8E;
	s24 =	sld [smem:$0x3FFE];
	[sflag:s23] =	ssyncadd.s32 $0xFFFFFFFF  }
0xa5: {  	s26 =	simm.s32 $execute0_lowered;
	[smem:$0x3FD2] =	sst s25  }
0xa6: {  	s5 =	sshll.u32 s26, $0x1;
	_ =	strace $0x80000046;
	[dreg:$0x1] =	wrdreg $0xFFFFFFFF  }
0xa7: {  	s28 =	simm.s32 $_size_execute0_lowered;
	s3 =	sadd.s32 s3, s5;
	[dreg:$0x0] =	wrdreg $0x0  }
0xa8: {  	s5 =	sshll.u32 s28, $0x1;
	[dreg:$0x2] =	wrdreg s3  }
0xa9: {  	[dreg:$0x3] =	wrdreg s5  }
0xaa: {  	[dreg:$0x4] =	wrdreg $0xC0  }
0xab: {  	_ =	task [dreg:s7], $0x5FFFF  }
0xac: {  	[dreg:$0x1] =	wrdreg $0xFFFFFFFF  }
0xad: {  	[dreg:$0x0] =	wrdreg $0x60  }
0xae: {  	[dreg:$0x2] =	wrdreg s2  }
0xaf: {  	[dreg:$0x3] =	wrdreg s24  }
0xb0: {  	[dreg:$0x4] =	wrdreg $0x9  }
0xb1: {  	_ =	task.clear_ibuf [dreg:s7], $0x5FFFF;
	_ =	strace $0x90000046  }
0xb2: {  	s29 =	simm.s32 $0x9;
	_ =	strace $0x80000048  }
0xb3: {  	_ =	swait.ge [sflag:s29], $0x1  }
0xb4: {  	[sflag:s29] =	ssyncadd.s32 $0xFFFFFFFF  }
0xb5: {  	_ =	strace $0x90000048  }
0xb6: {  	_ =	sfence  }
0xb7: {  	s30 =	sld [smem:$0x0];
	_ =	sdelay $0x2  }
0xb8: {  	s31 =	sshll.u32 s1, $0xD;
	s1 =	sshrl.u32 s1, $0x2  }
0xb9: {  	s3 =	sand.u32 $0x4000, s31;
	s1 =	sadd.s32 s1, s30  }
0xba: {  	s0 =	sor.u32 s3, s0;
	s1 =	sshll.u32 s1, $0x11  }
0xbb: {  	s0 =	sor.u32 s1, s0  }
0xbc: {  	s0 =	sadd.s32 $0x8F2B, s0  }
0xbd: {  	[sflag:s0] =	ssyncadd.remote.s32 $0x1  }
0xbe: {  	_ =	sfence.sel $0xFFFF  }
0xbf: {  	[dreg:$0x0] =	wrdreg $0xFFFFFFFF;
	(pc) =	sbr.abs _section_cstart, $3  }
0xc0: {  	[dreg:$0x1] =	wrdreg $0xFFFFFFFF  }
0xc1: {  	_ =	task.clear_ibuf [dreg:s7], $0x2FFFF;
	_ =	strace $0x9FFFFFFF  }
0xc2: {  	(tm) =	ssettm $0x7FFFFFFF  }
0xc3: {  	_ =	shalt  }
tec
execute0_lowered:
.L_overlay_start_1:
0x0: {  	(tag) =	ssettag $0x1  }
0x1: {  	s1 =	srdreg.scid  }
0x2: {  	s3 =	rddreg [dreg:$0x0];
	s0 =	stileid.u32;
	s6 =	sand.u32 $0x1, s1  }
0x3: {  	s10 =	rddreg [dreg:$0x1];
	s4 =	sshll.u32 s0, $0x6;
	s5 =	sshll.u32 s6, $0x5  }
0x4: {  	s2 =	simm.s32 $0x0;
	s1 =	rddreg [dreg:$0x2];
	s11 =	sor.u32 s5, s4  }
0x5: {  	[smem:$0x7FF] =	sst s2;
	s4 =	sshrl.u32 s11, $0x3  }
0x6: {  	_ =	strace $0x80000047;
	s4 =	sadd.s32 s3, s4;
	s3 =	simm.s32 $0x2  }
0x7: {  	[tilespmem:s2], [sflag:$0x2] =	stream.linear.gather [hbm4b:s4+s2], $0x20, $0x38;
	[tilespmem:$0x1100] =	vst v63  }
0x8: {  	_ =	swait.ge [sflag:s3], $0x20  }
0x9: {  	[sflag:s3] =	ssyncset.done $0x0  }
0xa: {  	[sflag:s3] =	ssyncadd.s32 $0xFFFFFFE0  }
0xb: {  	v0 =	vld [tilespmem:$0x0]  }
0xc: {  	v1 =	vld [tilespmem:$0x10];
	_ =	sdelay $0x1  }
0xd: {  	s12 =	ssub.s32 $0x2, s6  }
0xe: {  	s7 =	simm.s32 $0x80;
	s13 =	sshrl.u32 s12, $0x1  }
0xf: {  	s8 =	simm.s32 $0x100;
	s11 =	sshll.u32 s11, $0x4;
	s31 =	ssub.s32 s12, s13;
	v0 =	vshra.s32 v0, $0x2  }
0x10: {  	s5 =	sadd.s32 $0x188200, s10;
	s10 =	sadd.s32 s11, s10;
	s11 =	smax.u32 s31, $0x1;
	v63 =	vshra.s32 v1, $0x2;
	[tilespmem:$0x80] =	vst v0  }
0x11: {  	s9 =	simm.s32 $0x1;
	s6 =	simm.s32 $0x20;
	p0 =	sne.s32 s11, $0x1;
	[tilespmem:$0x90] =	vst v63  }
0x12: {  	[tilespmem:s8], [sflag:$0x1] =	stream.indirect.gather [hbm4b:s5+s6], $0x80, s7, s6, $0xb8;
	[tilespmem:$0x1100] =	vst v63  }
.Ltmp0:
0x13: {  	_ =	swait.ge [sflag:s9], $0x1000;
	(pc) =	sbr.rel @!p0 .LBB2_2-.Ltmp0, $4  }
0x14: {  	[sflag:s9] =	ssyncset.done $0x0  }
0x15: {  	s10 =	sadd.s32 $0x1800, s10;
	[sflag:s9] =	ssyncadd.s32 $0xFFFFF000  }
0x16: {  	[hbm4b:s10+s2] =	stream.linear.scatter [tilespmem:s8], [sflag:$0x2], $0x1000, $0x38;
	[tilespmem:$0x1100] =	vst v63  }
0x17: {  	s11 =	sadd.s32 $0xFFFFFFFF, s11;
	_ =	swait.ge [sflag:s3], $0x1000  }
.LBB2_1:
0x18: {  	p0 =	sne.s32 s11, $0x1;
	s11 =	sadd.s32 $0xFFFFFFFF, s11;
	[sflag:s3] =	ssyncset.done $0x0  }
0x19: {  	[sflag:s3] =	ssyncadd.s32 $0xFFFFF000  }
0x1a: {  	[tilespmem:s2], [sflag:$0x2] =	stream.linear.gather [hbm4b:s4+s2], $0x20, $0x38;
	[tilespmem:$0x1100] =	vst v63  }
0x1b: {  	_ =	swait.ge [sflag:s3], $0x20  }
0x1c: {  	[sflag:s3] =	ssyncset.done $0x0  }
0x1d: {  	[sflag:s3] =	ssyncadd.s32 $0xFFFFFFE0  }
0x1e: {  	v0 =	vld [tilespmem:$0x0]  }
0x1f: {  	v1 =	vld [tilespmem:$0x10];
	_ =	sdelay $0x3  }
0x20: {  	v0 =	vshra.s32 v0, $0x2  }
0x21: {  	[tilespmem:$0x80] =	vst v0;
	v0 =	vshra.s32 v1, $0x2  }
0x22: {  	[tilespmem:$0x90] =	vst v0  }
0x23: {  	[tilespmem:s8], [sflag:$0x1] =	stream.indirect.gather [hbm4b:s5+s6], $0x80, s7, s6, $0xb8;
	[tilespmem:$0x1100] =	vst v63  }
.Ltmp1:
0x24: {  	_ =	swait.ge [sflag:s9], $0x1000;
	(pc) =	sbr.rel @p0 .LBB2_1-.Ltmp1, $4  }
0x25: {  	[sflag:s9] =	ssyncset.done $0x0  }
0x26: {  	[sflag:s9] =	ssyncadd.s32 $0xFFFFF000  }
0x27: {  	[hbm4b:s10+s2] =	stream.linear.scatter [tilespmem:s8], [sflag:$0x2], $0x1000, $0x38;
	[tilespmem:$0x1100] =	vst v63  }
0x28: {  	_ =	swait.ge [sflag:s3], $0x1000  }
.LBB2_2:
0x29: {  	[sflag:s3] =	ssyncset.done $0x0  }
0x2a: {  	[sflag:s3] =	ssyncadd.s32 $0xFFFFF000  }
0x2b: {  	_ =	sfence.sel $0x180000  }
0x2c: {  	[bflag:$0x0] =	sbarrier.arrive $0xFFFF  }
0x2d: {  	p0 =	sne.s32 s0, $0x0;
	_ =	strace $0x90000047  }
0x2e: {  	s0 =	sadd.s32 @!p0 $0x100000, s1;
	[bflag:$0x2] =	sbarrier.arrive $0xFFFF  }
0x2f: {  	[sflag:s0] =	ssyncadd.tile.s32 @!p0 $0x1;
	_ =	shalt  }
.Lfunc_end2:
_tile_overlayer_lowered:
.L_overlay_start_2:
0x30: {  	(tag) =	ssettag $0x2  }
0x31: {  	s0 =	rddreg [dreg:$0x0];
	s2 =	stileid.u32  }
0x32: {  	s1 =	rddreg [dreg:$0x1];
	p0 =	sne.s32 s2, $0x0  }
0x33: {  	s3 =	rddreg [dreg:$0x2];
	[bflag:$0x3] =	sbarrier.arrive $0xFFFF;
	s2 =	simm.s32 @!p0 $0x1C02  }
0x34: {  	[timem:s3], [sflag:s2] =	dma.local @!p0 [hbm:s0], s1  }
0x35: {  	s0 =	simm.s32 @!p0 $0x2  }
0x36: {  	_ =	swait.ge @!p0 [sflag:s0], s1  }
0x37: {  	s1 =	ssub.s32 @!p0 $0x0, s1;
	[sflag:s0] =	ssyncset.done @!p0 $0x0  }
0x38: {  	[sflag:s0] =	ssyncadd.s32 @!p0 s1  }
0x39: {  	[bflag:$0x3] =	sbarrier.arrive $0xFFFF  }
0x3a: {  	_ =	shalt  }

</sc_bundles>
